<compile_context>
chip_gen: v7x
topology: tpu7x:2x2x1
jax: 0.10.2.dev20260603
libtpu: 0.0.44.dev20260713+nightly
codegen_flags: <defaults>
</compile_context>

<pallas_src>
import functools

import jax
import jax.numpy as jnp
from jax import lax
from jax.experimental import pallas as pl
from jax.experimental.pallas import tpu as pltpu
from jax.experimental.pallas import tpu_sc as plsc

B, T, D_MODEL, D_CODEX, K = 16, 576, 768, 64, 8192
N = B * T


def _l2norm(x):
    n = jnp.sqrt(jnp.sum(x * x, axis=-1, keepdims=True))
    return x / jnp.maximum(n, 1e-12)



def _argmax_body(emb_ref, w1_ref, b1_ref, w2_ref, b2_ref, codex_ref, idx_ref):
    bf = jnp.bfloat16
    x = emb_ref[...].astype(bf)
    h = jnp.tanh(
        lax.dot_general(x, w1_ref[...].astype(bf), (((1,), (0,)), ((), ())),
                        preferred_element_type=jnp.float32)
        + b1_ref[...])
    z = lax.dot_general(h.astype(bf), w2_ref[...].astype(bf),
                        (((1,), (0,)), ((), ())),
                        preferred_element_type=jnp.float32) + b2_ref[...]
    zn = _l2norm(z)
    cn = _l2norm(codex_ref[...])
    sim = lax.dot_general(zn.astype(bf), cn.astype(bf),
                          (((1,), (1,)), ((), ())),
                          preferred_element_type=jnp.float32)
    m = jnp.max(sim, axis=-1, keepdims=True)
    iota = lax.broadcasted_iota(jnp.int32, sim.shape, 1)
    idx_ref[...] = jnp.min(jnp.where(sim == m, iota, K), axis=-1)


def _compute_idx(emb2d, W1, b1, W2, b2, codex):
    M = 512
    grid = (N // M,)
    return pl.pallas_call(
        _argmax_body,
        grid=grid,
        in_specs=[
            pl.BlockSpec((M, D_MODEL), lambda i: (i, 0)),
            pl.BlockSpec((D_MODEL, D_MODEL), lambda i: (0, 0)),
            pl.BlockSpec((1, D_MODEL), lambda i: (0, 0)),
            pl.BlockSpec((D_MODEL, D_CODEX), lambda i: (0, 0)),
            pl.BlockSpec((1, D_CODEX), lambda i: (0, 0)),
            pl.BlockSpec((K, D_CODEX), lambda i: (0, 0)),
        ],
        out_specs=pl.BlockSpec((M,), lambda i: (i,)),
        out_shape=jax.ShapeDtypeStruct((N,), jnp.int32),
    )(emb2d, W1, b1.reshape(1, -1), W2, b2.reshape(1, -1), codex)



_NC, _NS = 2, 16
_NW = _NC * _NS
_B_PER_W = N // _NW
_CHUNK = 96
_NCHUNK = _B_PER_W // _CHUNK
_DPAD = 128


def _gather_body(codex_hbm, idx_hbm, out_hbm, idx_v, rows_v, sem):
    wid = lax.axis_index("s") * _NC + lax.axis_index("c")
    base = wid * _B_PER_W
    for j in range(_NCHUNK):
        off = base + j * _CHUNK
        pltpu.sync_copy(idx_hbm.at[pl.ds(off, _CHUNK)], idx_v)
        pltpu.async_copy(codex_hbm.at[idx_v], rows_v, sem).wait()
        pltpu.sync_copy(rows_v, out_hbm.at[pl.ds(off, _CHUNK)])


@functools.cache
def _make_gather():
    return pl.kernel(
        _gather_body,
        out_type=jax.ShapeDtypeStruct((N, _DPAD), jnp.float32),
        mesh=plsc.VectorSubcoreMesh(core_axis_name="c", subcore_axis_name="s"),
        scratch_types=[
            pltpu.VMEM((_CHUNK,), jnp.int32),
            pltpu.VMEM((_CHUNK, _DPAD), jnp.float32),
            pltpu.SemaphoreType.DMA,
        ],
    )


def _gather_rows(codex, idx):
    return _make_gather()(codex, idx)



def _post_body(q_ref, lng_ref, lnb_ref, wp_ref, bp_ref, out_ref):
    qn = _l2norm(q_ref[...])
    mu = jnp.mean(qn, axis=-1, keepdims=True)
    var = jnp.mean((qn - mu) ** 2, axis=-1, keepdims=True)
    y = (qn - mu) / jnp.sqrt(var + 1e-5) * lng_ref[...] + lnb_ref[...]
    out_ref[...] = lax.dot_general(
        y, wp_ref[...], (((1,), (0,)), ((), ())),
        preferred_element_type=jnp.float32) + bp_ref[...]


def _post_proj(zq, ln_g, ln_b, Wp, bp):
    M2 = 1024
    grid = (N // M2,)
    return pl.pallas_call(
        _post_body,
        grid=grid,
        in_specs=[
            pl.BlockSpec((M2, D_CODEX), lambda i: (i, 0)),
            pl.BlockSpec((1, D_CODEX), lambda i: (0, 0)),
            pl.BlockSpec((1, D_CODEX), lambda i: (0, 0)),
            pl.BlockSpec((D_CODEX, D_MODEL), lambda i: (0, 0)),
            pl.BlockSpec((1, D_MODEL), lambda i: (0, 0)),
        ],
        out_specs=pl.BlockSpec((M2, D_MODEL), lambda i: (i, 0)),
        out_shape=jax.ShapeDtypeStruct((N, D_MODEL), jnp.float32),
    )(zq, ln_g.reshape(1, -1), ln_b.reshape(1, -1), Wp, bp.reshape(1, -1))


def kernel(emb, W1, b1, W2, b2, ln_g, ln_b, Wp, bp, codex):
    emb2d = emb.reshape(N, D_MODEL)
    idx = _compute_idx(emb2d, W1, b1, W2, b2, codex)
    codex_pad = jnp.pad(codex, ((0, 0), (0, _DPAD - D_CODEX)))
    zq = _gather_rows(codex_pad, idx)[:, :D_CODEX]
    out = _post_proj(zq, ln_g, ln_b, Wp, bp)
    return out.reshape(B, T, D_MODEL)

# --- scband reference (transcript-rebuilt; emitter-appended) ---
"""Pipeline reference for scband-juke-box-vector-quantizer-28887950033220 (READ-ONLY COPY).

The authoritative reference and input builder live on the scoring server;
editing this copy changes nothing except your own understanding.
"""

import jax, jax.numpy as jnp
import numpy as np


def l2norm(x):
    n = jnp.linalg.norm(x, ord=2, axis=-1, keepdims=True)
    return x / jnp.maximum(n, 1e-12)


def setup_inputs(seed: int = 0) -> dict:
    key = jax.random.key(seed)
    ks = jax.random.split(key, 10)
    B, T, d_model, d_codex, K = 16, 576, 768, 64, 8192
    emb = jax.random.normal(ks[0], (B, T, d_model), dtype=jnp.float32)
    W1 = 0.02 * jax.random.normal(ks[1], (d_model, d_model), dtype=jnp.float32)
    b1 = jnp.zeros((d_model,), dtype=jnp.float32)
    W2 = 0.02 * jax.random.normal(ks[2], (d_model, d_codex), dtype=jnp.float32)
    b2 = jnp.zeros((d_codex,), dtype=jnp.float32)
    ln_g = jnp.ones((d_codex,), dtype=jnp.float32)
    ln_b = jnp.zeros((d_codex,), dtype=jnp.float32)
    Wp = 0.02 * jax.random.normal(ks[3], (d_codex, d_model), dtype=jnp.float32)
    bp = jnp.zeros((d_model,), dtype=jnp.float32)
    codex = l2norm(jax.random.normal(ks[4], (K, d_codex), dtype=jnp.float32))
    return {"emb": emb, "W1": W1, "b1": b1, "W2": W2, "b2": b2,
            "ln_g": ln_g, "ln_b": ln_b, "Wp": Wp, "bp": bp, "codex": codex}


def reference(emb, W1, b1, W2, b2, ln_g, ln_b, Wp, bp, codex):
    # pre_proj: Linear -> Tanh -> Linear (d_model -> d_codex)
    h = jnp.tanh(jnp.einsum('btd,de->bte', emb, W1) + b1)
    z_e = jnp.einsum('btd,de->bte', h, W2) + b2
    # l2-normalize embeddings and codebook (JukeBox uses l2-normed codex)
    z_n = l2norm(z_e)
    c_n = l2norm(codex)
    # nearest neighbor by cosine similarity (equiv. to min l2 dist on sphere)
    sim = jnp.einsum('btd,kd->btk', z_n, c_n)
    codex_idxs = jnp.argmax(sim, axis=-1)
    z_q = jnp.take(c_n, codex_idxs, axis=0)
    # straight-through estimator
    z_q_st = z_n + jax.lax.stop_gradient(z_q - z_n)
    # layernorm over d_codex
    mu = jnp.mean(z_q_st, axis=-1, keepdims=True)
    var = jnp.var(z_q_st, axis=-1, keepdims=True)
    z_ln = (z_q_st - mu) / jnp.sqrt(var + 1e-5) * ln_g + ln_b
    # post_proj back to d_model
    out = jnp.einsum('btd,de->bte', z_ln, Wp) + bp
    return out

if __name__ == "__main__":
    import jax
    _d = setup_inputs()
    print(jax.jit(kernel)(*tuple(_d.values())))

</pallas_src>

<mosaic_0001>
#map = affine_map<(d0, d1) -> (0, 0)>
#map1 = affine_map<(d0, d1) -> (0)>
module attributes {stable_mosaic.version = 14 : i64} {
  func.func @_gather_body(%arg0: i32, %arg1: i32, %arg2: memref<8192x128xf32, #tpu.memory_space<hbm>>, %arg3: memref<9216xi32, #tpu.memory_space<hbm>>, %arg4: memref<9216x128xf32, #tpu.memory_space<hbm>>, %arg5: memref<96xi32, #tpu.memory_space<vmem>>, %arg6: memref<96x128xf32, #tpu.memory_space<vmem>>, %arg7: memref<!tpu.dma_semaphore, #tpu.memory_space<semaphore_mem>>) attributes {dimension_semantics = [#tpu.dimension_semantics<core_parallel>, #tpu.dimension_semantics<subcore_parallel>], iteration_bounds = array<i64: 2, 16>, scalar_prefetch = 0 : i64, scratch_operands = 3 : i64, tpu.core_type = #tpu.core_type<sc_vector_subcore>, window_params = [{transform_indices = #map}, {transform_indices = #map1}, {transform_indices = #map}]} {
    %mul3A = arith.constant 2 : i32
    %mul3A_0 = arith.muli %arg1, %mul3A : i32
    %add3A = arith.addi %mul3A_0, %arg0 : i32
    %mul3A_1 = arith.constant 288 : i32
    %mul3A_2 = arith.muli %add3A, %mul3A_1 : i32
    %add3A_3 = arith.constant 0 : i32
    %add3A_4 = arith.addi %mul3A_2, %add3A_3 : i32
    "tpu.region"() ({
      %run_scoped3A = tpu.sem_alloc : memref<!tpu.dma_semaphore, #tpu.memory_space<semaphore_mem>>
      %dma_start3A_25 = tpu.memref_slice %arg3[%add3A_4] : memref<9216xi32, #tpu.memory_space<hbm>> -> memref<96xi32, #tpu.memory_space<hbm>>
      %dma_start3A_26 = tpu.memref_slice %arg3[%add3A_4] : memref<9216xi32, #tpu.memory_space<hbm>> -> memref<96xi32, #tpu.memory_space<hbm>>
      tpu.enqueue_dma source(%dma_start3A_26 : memref<96xi32, #tpu.memory_space<hbm>>) target(%arg5 : memref<96xi32, #tpu.memory_space<vmem>>) target_semaphore(%run_scoped3A : memref<!tpu.dma_semaphore, #tpu.memory_space<semaphore_mem>>)
      %dma_wait3A_27 = tpu.memref_slice %arg3[%add3A_4] : memref<9216xi32, #tpu.memory_space<hbm>> -> memref<96xi32, #tpu.memory_space<hbm>>
      %dma_wait3A_28 = tpu.memref_slice %arg3[%add3A_4] : memref<9216xi32, #tpu.memory_space<hbm>> -> memref<96xi32, #tpu.memory_space<hbm>>
      tpu.wait_dma2 semaphore(%run_scoped3A : memref<!tpu.dma_semaphore, #tpu.memory_space<semaphore_mem>>) src(%dma_wait3A_28 : memref<96xi32, #tpu.memory_space<hbm>>) dst(%arg5 : memref<96xi32, #tpu.memory_space<vmem>>)
      tpu.yield
    }) : () -> ()
    %dma_start3A = arith.constant 0 : i32
    %dma_start3A_5 = arith.constant 0 : i32
    %dma_start3A_6 = tpu.memref_slice %arg2[%dma_start3A, %dma_start3A_5] : memref<8192x128xf32, #tpu.memory_space<hbm>> -> memref<8192x128xf32, #tpu.memory_space<hbm>>
    tpu.enqueue_indirect_dma source(%dma_start3A_6 : memref<8192x128xf32, #tpu.memory_space<hbm>>) target(%arg6 : memref<96x128xf32, #tpu.memory_space<vmem>>) offsets(%arg5 : memref<96xi32, #tpu.memory_space<vmem>>) semaphore(%arg7 : memref<!tpu.dma_semaphore, #tpu.memory_space<semaphore_mem>>)
    %dma_wait3A = arith.constant 0 : i32
    %dma_wait3A_7 = arith.constant 0 : i32
    %dma_wait3A_8 = tpu.memref_slice %arg2[%dma_wait3A, %dma_wait3A_7] : memref<8192x128xf32, #tpu.memory_space<hbm>> -> memref<8192x128xf32, #tpu.memory_space<hbm>>
    tpu.wait_indirect_dma semaphore(%arg7 : memref<!tpu.dma_semaphore, #tpu.memory_space<semaphore_mem>>) src(%dma_wait3A_8 : memref<8192x128xf32, #tpu.memory_space<hbm>>) dst(%arg6 : memref<96x128xf32, #tpu.memory_space<vmem>>)
    "tpu.region"() ({
      %run_scoped3A = tpu.sem_alloc : memref<!tpu.dma_semaphore, #tpu.memory_space<semaphore_mem>>
      %dma_start3A_25 = arith.constant 0 : i32
      %dma_start3A_26 = tpu.memref_slice %arg4[%add3A_4, %dma_start3A_25] : memref<9216x128xf32, #tpu.memory_space<hbm>> -> memref<96x128xf32, #tpu.memory_space<hbm>>
      %dma_start3A_27 = arith.constant 0 : i32
      %dma_start3A_28 = tpu.memref_slice %arg4[%add3A_4, %dma_start3A_27] : memref<9216x128xf32, #tpu.memory_space<hbm>> -> memref<96x128xf32, #tpu.memory_space<hbm>>
      tpu.enqueue_dma source(%arg6 : memref<96x128xf32, #tpu.memory_space<vmem>>) target(%dma_start3A_28 : memref<96x128xf32, #tpu.memory_space<hbm>>) target_semaphore(%run_scoped3A : memref<!tpu.dma_semaphore, #tpu.memory_space<semaphore_mem>>)
      %dma_wait3A_29 = arith.constant 0 : i32
      %dma_wait3A_30 = tpu.memref_slice %arg4[%add3A_4, %dma_wait3A_29] : memref<9216x128xf32, #tpu.memory_space<hbm>> -> memref<96x128xf32, #tpu.memory_space<hbm>>
      %dma_wait3A_31 = arith.constant 0 : i32
      %dma_wait3A_32 = tpu.memref_slice %arg4[%add3A_4, %dma_wait3A_31] : memref<9216x128xf32, #tpu.memory_space<hbm>> -> memref<96x128xf32, #tpu.memory_space<hbm>>
      tpu.wait_dma2 semaphore(%run_scoped3A : memref<!tpu.dma_semaphore, #tpu.memory_space<semaphore_mem>>) src(%arg6 : memref<96x128xf32, #tpu.memory_space<vmem>>) dst(%dma_wait3A_32 : memref<96x128xf32, #tpu.memory_space<hbm>>)
      tpu.yield
    }) : () -> ()
    %add3A_9 = arith.constant 96 : i32
    %add3A_10 = arith.addi %mul3A_2, %add3A_9 : i32
    "tpu.region"() ({
      %run_scoped3A = tpu.sem_alloc : memref<!tpu.dma_semaphore, #tpu.memory_space<semaphore_mem>>
      %dma_start3A_25 = tpu.memref_slice %arg3[%add3A_10] : memref<9216xi32, #tpu.memory_space<hbm>> -> memref<96xi32, #tpu.memory_space<hbm>>
      %dma_start3A_26 = tpu.memref_slice %arg3[%add3A_10] : memref<9216xi32, #tpu.memory_space<hbm>> -> memref<96xi32, #tpu.memory_space<hbm>>
      tpu.enqueue_dma source(%dma_start3A_26 : memref<96xi32, #tpu.memory_space<hbm>>) target(%arg5 : memref<96xi32, #tpu.memory_space<vmem>>) target_semaphore(%run_scoped3A : memref<!tpu.dma_semaphore, #tpu.memory_space<semaphore_mem>>)
      %dma_wait3A_27 = tpu.memref_slice %arg3[%add3A_10] : memref<9216xi32, #tpu.memory_space<hbm>> -> memref<96xi32, #tpu.memory_space<hbm>>
      %dma_wait3A_28 = tpu.memref_slice %arg3[%add3A_10] : memref<9216xi32, #tpu.memory_space<hbm>> -> memref<96xi32, #tpu.memory_space<hbm>>
      tpu.wait_dma2 semaphore(%run_scoped3A : memref<!tpu.dma_semaphore, #tpu.memory_space<semaphore_mem>>) src(%dma_wait3A_28 : memref<96xi32, #tpu.memory_space<hbm>>) dst(%arg5 : memref<96xi32, #tpu.memory_space<vmem>>)
      tpu.yield
    }) : () -> ()
    %dma_start3A_11 = arith.constant 0 : i32
    %dma_start3A_12 = arith.constant 0 : i32
    %dma_start3A_13 = tpu.memref_slice %arg2[%dma_start3A_11, %dma_start3A_12] : memref<8192x128xf32, #tpu.memory_space<hbm>> -> memref<8192x128xf32, #tpu.memory_space<hbm>>
    tpu.enqueue_indirect_dma source(%dma_start3A_13 : memref<8192x128xf32, #tpu.memory_space<hbm>>) target(%arg6 : memref<96x128xf32, #tpu.memory_space<vmem>>) offsets(%arg5 : memref<96xi32, #tpu.memory_space<vmem>>) semaphore(%arg7 : memref<!tpu.dma_semaphore, #tpu.memory_space<semaphore_mem>>)
    %dma_wait3A_14 = arith.constant 0 : i32
    %dma_wait3A_15 = arith.constant 0 : i32
    %dma_wait3A_16 = tpu.memref_slice %arg2[%dma_wait3A_14, %dma_wait3A_15] : memref<8192x128xf32, #tpu.memory_space<hbm>> -> memref<8192x128xf32, #tpu.memory_space<hbm>>
    tpu.wait_indirect_dma semaphore(%arg7 : memref<!tpu.dma_semaphore, #tpu.memory_space<semaphore_mem>>) src(%dma_wait3A_16 : memref<8192x128xf32, #tpu.memory_space<hbm>>) dst(%arg6 : memref<96x128xf32, #tpu.memory_space<vmem>>)
    "tpu.region"() ({
      %run_scoped3A = tpu.sem_alloc : memref<!tpu.dma_semaphore, #tpu.memory_space<semaphore_mem>>
      %dma_start3A_25 = arith.constant 0 : i32
      %dma_start3A_26 = tpu.memref_slice %arg4[%add3A_10, %dma_start3A_25] : memref<9216x128xf32, #tpu.memory_space<hbm>> -> memref<96x128xf32, #tpu.memory_space<hbm>>
      %dma_start3A_27 = arith.constant 0 : i32
      %dma_start3A_28 = tpu.memref_slice %arg4[%add3A_10, %dma_start3A_27] : memref<9216x128xf32, #tpu.memory_space<hbm>> -> memref<96x128xf32, #tpu.memory_space<hbm>>
      tpu.enqueue_dma source(%arg6 : memref<96x128xf32, #tpu.memory_space<vmem>>) target(%dma_start3A_28 : memref<96x128xf32, #tpu.memory_space<hbm>>) target_semaphore(%run_scoped3A : memref<!tpu.dma_semaphore, #tpu.memory_space<semaphore_mem>>)
      %dma_wait3A_29 = arith.constant 0 : i32
      %dma_wait3A_30 = tpu.memref_slice %arg4[%add3A_10, %dma_wait3A_29] : memref<9216x128xf32, #tpu.memory_space<hbm>> -> memref<96x128xf32, #tpu.memory_space<hbm>>
      %dma_wait3A_31 = arith.constant 0 : i32
      %dma_wait3A_32 = tpu.memref_slice %arg4[%add3A_10, %dma_wait3A_31] : memref<9216x128xf32, #tpu.memory_space<hbm>> -> memref<96x128xf32, #tpu.memory_space<hbm>>
      tpu.wait_dma2 semaphore(%run_scoped3A : memref<!tpu.dma_semaphore, #tpu.memory_space<semaphore_mem>>) src(%arg6 : memref<96x128xf32, #tpu.memory_space<vmem>>) dst(%dma_wait3A_32 : memref<96x128xf32, #tpu.memory_space<hbm>>)
      tpu.yield
    }) : () -> ()
    %add3A_17 = arith.constant 192 : i32
    %add3A_18 = arith.addi %mul3A_2, %add3A_17 : i32
    "tpu.region"() ({
      %run_scoped3A = tpu.sem_alloc : memref<!tpu.dma_semaphore, #tpu.memory_space<semaphore_mem>>
      %dma_start3A_25 = tpu.memref_slice %arg3[%add3A_18] : memref<9216xi32, #tpu.memory_space<hbm>> -> memref<96xi32, #tpu.memory_space<hbm>>
      %dma_start3A_26 = tpu.memref_slice %arg3[%add3A_18] : memref<9216xi32, #tpu.memory_space<hbm>> -> memref<96xi32, #tpu.memory_space<hbm>>
      tpu.enqueue_dma source(%dma_start3A_26 : memref<96xi32, #tpu.memory_space<hbm>>) target(%arg5 : memref<96xi32, #tpu.memory_space<vmem>>) target_semaphore(%run_scoped3A : memref<!tpu.dma_semaphore, #tpu.memory_space<semaphore_mem>>)
      %dma_wait3A_27 = tpu.memref_slice %arg3[%add3A_18] : memref<9216xi32, #tpu.memory_space<hbm>> -> memref<96xi32, #tpu.memory_space<hbm>>
      %dma_wait3A_28 = tpu.memref_slice %arg3[%add3A_18] : memref<9216xi32, #tpu.memory_space<hbm>> -> memref<96xi32, #tpu.memory_space<hbm>>
      tpu.wait_dma2 semaphore(%run_scoped3A : memref<!tpu.dma_semaphore, #tpu.memory_space<semaphore_mem>>) src(%dma_wait3A_28 : memref<96xi32, #tpu.memory_space<hbm>>) dst(%arg5 : memref<96xi32, #tpu.memory_space<vmem>>)
      tpu.yield
    }) : () -> ()
    %dma_start3A_19 = arith.constant 0 : i32
    %dma_start3A_20 = arith.constant 0 : i32
    %dma_start3A_21 = tpu.memref_slice %arg2[%dma_start3A_19, %dma_start3A_20] : memref<8192x128xf32, #tpu.memory_space<hbm>> -> memref<8192x128xf32, #tpu.memory_space<hbm>>
    tpu.enqueue_indirect_dma source(%dma_start3A_21 : memref<8192x128xf32, #tpu.memory_space<hbm>>) target(%arg6 : memref<96x128xf32, #tpu.memory_space<vmem>>) offsets(%arg5 : memref<96xi32, #tpu.memory_space<vmem>>) semaphore(%arg7 : memref<!tpu.dma_semaphore, #tpu.memory_space<semaphore_mem>>)
    %dma_wait3A_22 = arith.constant 0 : i32
    %dma_wait3A_23 = arith.constant 0 : i32
    %dma_wait3A_24 = tpu.memref_slice %arg2[%dma_wait3A_22, %dma_wait3A_23] : memref<8192x128xf32, #tpu.memory_space<hbm>> -> memref<8192x128xf32, #tpu.memory_space<hbm>>
    tpu.wait_indirect_dma semaphore(%arg7 : memref<!tpu.dma_semaphore, #tpu.memory_space<semaphore_mem>>) src(%dma_wait3A_24 : memref<8192x128xf32, #tpu.memory_space<hbm>>) dst(%arg6 : memref<96x128xf32, #tpu.memory_space<vmem>>)
    "tpu.region"() ({
      %run_scoped3A = tpu.sem_alloc : memref<!tpu.dma_semaphore, #tpu.memory_space<semaphore_mem>>
      %dma_start3A_25 = arith.constant 0 : i32
      %dma_start3A_26 = tpu.memref_slice %arg4[%add3A_18, %dma_start3A_25] : memref<9216x128xf32, #tpu.memory_space<hbm>> -> memref<96x128xf32, #tpu.memory_space<hbm>>
      %dma_start3A_27 = arith.constant 0 : i32
      %dma_start3A_28 = tpu.memref_slice %arg4[%add3A_18, %dma_start3A_27] : memref<9216x128xf32, #tpu.memory_space<hbm>> -> memref<96x128xf32, #tpu.memory_space<hbm>>
      tpu.enqueue_dma source(%arg6 : memref<96x128xf32, #tpu.memory_space<vmem>>) target(%dma_start3A_28 : memref<96x128xf32, #tpu.memory_space<hbm>>) target_semaphore(%run_scoped3A : memref<!tpu.dma_semaphore, #tpu.memory_space<semaphore_mem>>)
      %dma_wait3A_29 = arith.constant 0 : i32
      %dma_wait3A_30 = tpu.memref_slice %arg4[%add3A_18, %dma_wait3A_29] : memref<9216x128xf32, #tpu.memory_space<hbm>> -> memref<96x128xf32, #tpu.memory_space<hbm>>
      %dma_wait3A_31 = arith.constant 0 : i32
      %dma_wait3A_32 = tpu.memref_slice %arg4[%add3A_18, %dma_wait3A_31] : memref<9216x128xf32, #tpu.memory_space<hbm>> -> memref<96x128xf32, #tpu.memory_space<hbm>>
      tpu.wait_dma2 semaphore(%run_scoped3A : memref<!tpu.dma_semaphore, #tpu.memory_space<semaphore_mem>>) src(%arg6 : memref<96x128xf32, #tpu.memory_space<vmem>>) dst(%dma_wait3A_32 : memref<96x128xf32, #tpu.memory_space<hbm>>)
      tpu.yield
    }) : () -> ()
    return
  }
}

module attributes {stable_mosaic.version = 14 : i64} {
  func.func @_argmax_body(%arg0: i32, %arg1: memref<512x768xf32, #tpu.memory_space<vmem>>, %arg2: memref<768x768xf32, #tpu.memory_space<vmem>>, %arg3: memref<1x768xf32, #tpu.memory_space<vmem>>, %arg4: memref<768x64xf32, #tpu.memory_space<vmem>>, %arg5: memref<1x64xf32, #tpu.memory_space<vmem>>, %arg6: memref<8192x64xf32, #tpu.memory_space<vmem>>, %arg7: memref<512xi32, #tpu.memory_space<vmem>>) attributes {dimension_semantics = [#tpu.dimension_semantics<arbitrary>], iteration_bounds = array<i64: 18>, scalar_prefetch = 0 : i64, scratch_operands = 0 : i64, tpu.core_type = #tpu.core_type<tc>, window_params = [{transform_indices = @transform_0, window_bounds = array<i64: 512, 768>}, {pipeline_mode = #tpu.pipeline_mode<synchronous>, transform_indices = @transform_1, window_bounds = array<i64: 768, 768>}, {pipeline_mode = #tpu.pipeline_mode<synchronous>, transform_indices = @transform_2, window_bounds = array<i64: 1, 768>}, {pipeline_mode = #tpu.pipeline_mode<synchronous>, transform_indices = @transform_3, window_bounds = array<i64: 768, 64>}, {pipeline_mode = #tpu.pipeline_mode<synchronous>, transform_indices = @transform_4, window_bounds = array<i64: 1, 64>}, {pipeline_mode = #tpu.pipeline_mode<synchronous>, transform_indices = @transform_5, window_bounds = array<i64: 8192, 64>}, {transform_indices = @transform_6, window_bounds = array<i64: 512>}]} {
    %get3A = arith.constant 0 : index
    %get3A_0 = arith.constant 0 : index
    %get3A_1 = vector.load %arg1[%get3A, %get3A_0] : memref<512x768xf32, #tpu.memory_space<vmem>>, vector<512x768xf32>
    %convert_element_type3A = arith.truncf %get3A_1 : vector<512x768xf32> to vector<512x768xbf16>
    %get3A_2 = arith.constant 0 : index
    %get3A_3 = arith.constant 0 : index
    %get3A_4 = vector.load %arg2[%get3A_2, %get3A_3] : memref<768x768xf32, #tpu.memory_space<vmem>>, vector<768x768xf32>
    %convert_element_type3A_5 = arith.truncf %get3A_4 : vector<768x768xf32> to vector<768x768xbf16>
    %dot_general3A = arith.constant dense<0.000000e+00> : vector<512x768xf32>
    %dot_general3A_6 = tpu.matmul %convert_element_type3A, %convert_element_type3A_5, %dot_general3A {dimension_numbers = #tpu.dot_dimension_numbers<[1], [0], [0], [1], [0, 0, 1, 1], [], []>, transpose_lhs_hint = false} : vector<512x768xbf16>, vector<768x768xbf16>, vector<512x768xf32> -> vector<512x768xf32>
    %get3A_7 = arith.constant 0 : index
    %get3A_8 = arith.constant 0 : index
    %get3A_9 = vector.load %arg3[%get3A_7, %get3A_8] : memref<1x768xf32, #tpu.memory_space<vmem>>, vector<1x768xf32>
    %add3A = vector.broadcast %get3A_9 : vector<1x768xf32> to vector<512x768xf32>
    %add3A_10 = arith.addf %dot_general3A_6, %add3A : vector<512x768xf32>
    %tanh3A = math.tanh %add3A_10 : vector<512x768xf32>
    %convert_element_type3A_11 = arith.truncf %tanh3A : vector<512x768xf32> to vector<512x768xbf16>
    %get3A_12 = arith.constant 0 : index
    %get3A_13 = arith.constant 0 : index
    %get3A_14 = vector.load %arg4[%get3A_12, %get3A_13] : memref<768x64xf32, #tpu.memory_space<vmem>>, vector<768x64xf32>
    %convert_element_type3A_15 = arith.truncf %get3A_14 : vector<768x64xf32> to vector<768x64xbf16>
    %dot_general3A_16 = arith.constant dense<0.000000e+00> : vector<512x64xf32>
    %dot_general3A_17 = tpu.matmul %convert_element_type3A_11, %convert_element_type3A_15, %dot_general3A_16 {dimension_numbers = #tpu.dot_dimension_numbers<[1], [0], [0], [1], [0, 0, 1, 1], [], []>, transpose_lhs_hint = false} : vector<512x768xbf16>, vector<768x64xbf16>, vector<512x64xf32> -> vector<512x64xf32>
    %get3A_18 = arith.constant 0 : index
    %get3A_19 = arith.constant 0 : index
    %get3A_20 = vector.load %arg5[%get3A_18, %get3A_19] : memref<1x64xf32, #tpu.memory_space<vmem>>, vector<1x64xf32>
    %add3A_21 = vector.broadcast %get3A_20 : vector<1x64xf32> to vector<512x64xf32>
    %add3A_22 = arith.addf %dot_general3A_17, %add3A_21 : vector<512x64xf32>
    %mul3A = arith.mulf %add3A_22, %add3A_22 : vector<512x64xf32>
    %reduce_sum3A = arith.constant dense<0.000000e+00> : vector<512xf32>
    %reduce_sum3A_23 = vector.multi_reduction <add>, %mul3A, %reduce_sum3A [1] : vector<512x64xf32> to vector<512xf32>
    %broadcast_in_dim3A = vector.shape_cast %reduce_sum3A_23 : vector<512xf32> to vector<512x1xf32>
    %sqrt3A = math.sqrt %broadcast_in_dim3A : vector<512x1xf32>
    %max3A = arith.constant 9.99999996E-13 : f32
    %max3A_24 = vector.broadcast %max3A : f32 to vector<512x1xf32>
    %max3A_25 = arith.maximumf %sqrt3A, %max3A_24 : vector<512x1xf32>
    %div3A = vector.broadcast %max3A_25 : vector<512x1xf32> to vector<512x64xf32>
    %div3A_26 = arith.divf %add3A_22, %div3A : vector<512x64xf32>
    %get3A_27 = arith.constant 0 : index
    %get3A_28 = arith.constant 0 : index
    %get3A_29 = vector.load %arg6[%get3A_27, %get3A_28] : memref<8192x64xf32, #tpu.memory_space<vmem>>, vector<8192x64xf32>
    %mul3A_30 = arith.mulf %get3A_29, %get3A_29 : vector<8192x64xf32>
    %reduce_sum3A_31 = arith.constant dense<0.000000e+00> : vector<8192xf32>
    %reduce_sum3A_32 = vector.multi_reduction <add>, %mul3A_30, %reduce_sum3A_31 [1] : vector<8192x64xf32> to vector<8192xf32>
    %broadcast_in_dim3A_33 = vector.shape_cast %reduce_sum3A_32 : vector<8192xf32> to vector<8192x1xf32>
    %sqrt3A_34 = math.sqrt %broadcast_in_dim3A_33 : vector<8192x1xf32>
    %max3A_35 = arith.constant 9.99999996E-13 : f32
    %max3A_36 = vector.broadcast %max3A_35 : f32 to vector<8192x1xf32>
    %max3A_37 = arith.maximumf %sqrt3A_34, %max3A_36 : vector<8192x1xf32>
    %div3A_38 = vector.broadcast %max3A_37 : vector<8192x1xf32> to vector<8192x64xf32>
    %div3A_39 = arith.divf %get3A_29, %div3A_38 : vector<8192x64xf32>
    %convert_element_type3A_40 = arith.truncf %div3A_26 : vector<512x64xf32> to vector<512x64xbf16>
    %convert_element_type3A_41 = arith.truncf %div3A_39 : vector<8192x64xf32> to vector<8192x64xbf16>
    %dot_general3A_42 = arith.constant dense<0.000000e+00> : vector<512x8192xf32>
    %dot_general3A_43 = tpu.matmul %convert_element_type3A_40, %convert_element_type3A_41, %dot_general3A_42 {dimension_numbers = #tpu.dot_dimension_numbers<[1], [1], [0], [0], [0, 0, 1, 0], [], []>, transpose_lhs_hint = false} : vector<512x64xbf16>, vector<8192x64xbf16>, vector<512x8192xf32> -> vector<512x8192xf32>
    %reduce_max3A = arith.constant dense<0xFF800000> : vector<512xf32>
    %reduce_max3A_44 = vector.multi_reduction <maximumf>, %dot_general3A_43, %reduce_max3A [1] : vector<512x8192xf32> to vector<512xf32>
    %broadcast_in_dim3A_45 = vector.shape_cast %reduce_max3A_44 : vector<512xf32> to vector<512x1xf32>
    %iota3A = tpu.iota {dimensions = array<i32: 1>} : vector<512x8192xi32>
    %eq3A = vector.broadcast %broadcast_in_dim3A_45 : vector<512x1xf32> to vector<512x8192xf32>
    %eq3A_46 = arith.cmpf oeq, %dot_general3A_43, %eq3A : vector<512x8192xf32>
    %jit3A = arith.constant 8192 : i32
    %broadcast_in_dim3A_47 = vector.broadcast %jit3A : i32 to vector<512x8192xi32>
    %select_n3A = arith.select %eq3A_46, %iota3A, %broadcast_in_dim3A_47 : vector<512x8192xi1>, vector<512x8192xi32>
    %reduce_min3A = arith.constant dense<2147483647> : vector<512xi32>
    %reduce_min3A_48 = vector.multi_reduction <minsi>, %select_n3A, %reduce_min3A [1] : vector<512x8192xi32> to vector<512xi32>
    %swap3A = arith.constant 0 : index
    %swap3A_49 = vector.load %arg7[%swap3A] : memref<512xi32, #tpu.memory_space<vmem>>, vector<512xi32>
    tpu.vector_store %arg7[%swap3A], %reduce_min3A_48 {strides = array<i32>} : memref<512xi32, #tpu.memory_space<vmem>>, vector<512xi32>,
    return
  }
  func.func @transform_0(%arg0: i32) -> (i32, i32) {
    %c0_i32 = arith.constant 0 : i32
    %c0_i32_0 = arith.constant 0 : i32
    return %arg0, %c0_i32 : i32, i32
  }
  func.func @transform_1(%arg0: i32) -> (i32, i32) {
    %c0_i32 = arith.constant 0 : i32
    %c0_i32_0 = arith.constant 0 : i32
    %c0_i32_1 = arith.constant 0 : i32
    return %c0_i32, %c0_i32_0 : i32, i32
  }
  func.func @transform_2(%arg0: i32) -> (i32, i32) {
    %c0_i32 = arith.constant 0 : i32
    %c0_i32_0 = arith.constant 0 : i32
    %c0_i32_1 = arith.constant 0 : i32
    return %c0_i32, %c0_i32_0 : i32, i32
  }
  func.func @transform_3(%arg0: i32) -> (i32, i32) {
    %c0_i32 = arith.constant 0 : i32
    %c0_i32_0 = arith.constant 0 : i32
    %c0_i32_1 = arith.constant 0 : i32
    return %c0_i32, %c0_i32_0 : i32, i32
  }
  func.func @transform_4(%arg0: i32) -> (i32, i32) {
    %c0_i32 = arith.constant 0 : i32
    %c0_i32_0 = arith.constant 0 : i32
    %c0_i32_1 = arith.constant 0 : i32
    return %c0_i32, %c0_i32_0 : i32, i32
  }
  func.func @transform_5(%arg0: i32) -> (i32, i32) {
    %c0_i32 = arith.constant 0 : i32
    %c0_i32_0 = arith.constant 0 : i32
    %c0_i32_1 = arith.constant 0 : i32
    return %c0_i32, %c0_i32_0 : i32, i32
  }
  func.func @transform_6(%arg0: i32) -> i32 {
    %c0_i32 = arith.constant 0 : i32
    return %arg0 : i32
  }
}

module attributes {stable_mosaic.version = 14 : i64} {
  func.func @_post_body(%arg0: i32, %arg1: memref<1024x64xf32, #tpu.memory_space<vmem>>, %arg2: memref<1x64xf32, #tpu.memory_space<vmem>>, %arg3: memref<1x64xf32, #tpu.memory_space<vmem>>, %arg4: memref<64x768xf32, #tpu.memory_space<vmem>>, %arg5: memref<1x768xf32, #tpu.memory_space<vmem>>, %arg6: memref<1024x768xf32, #tpu.memory_space<vmem>>) attributes {dimension_semantics = [#tpu.dimension_semantics<arbitrary>], iteration_bounds = array<i64: 9>, scalar_prefetch = 0 : i64, scratch_operands = 0 : i64, tpu.core_type = #tpu.core_type<tc>, window_params = [{transform_indices = @transform_0, window_bounds = array<i64: 1024, 64>}, {pipeline_mode = #tpu.pipeline_mode<synchronous>, transform_indices = @transform_1, window_bounds = array<i64: 1, 64>}, {pipeline_mode = #tpu.pipeline_mode<synchronous>, transform_indices = @transform_2, window_bounds = array<i64: 1, 64>}, {pipeline_mode = #tpu.pipeline_mode<synchronous>, transform_indices = @transform_3, window_bounds = array<i64: 64, 768>}, {pipeline_mode = #tpu.pipeline_mode<synchronous>, transform_indices = @transform_4, window_bounds = array<i64: 1, 768>}, {transform_indices = @transform_5, window_bounds = array<i64: 1024, 768>}]} {
    %get3A = arith.constant 0 : index
    %get3A_0 = arith.constant 0 : index
    %get3A_1 = vector.load %arg1[%get3A, %get3A_0] : memref<1024x64xf32, #tpu.memory_space<vmem>>, vector<1024x64xf32>
    %mul3A = arith.mulf %get3A_1, %get3A_1 : vector<1024x64xf32>
    %reduce_sum3A = arith.constant dense<0.000000e+00> : vector<1024xf32>
    %reduce_sum3A_2 = vector.multi_reduction <add>, %mul3A, %reduce_sum3A [1] : vector<1024x64xf32> to vector<1024xf32>
    %broadcast_in_dim3A = vector.shape_cast %reduce_sum3A_2 : vector<1024xf32> to vector<1024x1xf32>
    %sqrt3A = math.sqrt %broadcast_in_dim3A : vector<1024x1xf32>
    %max3A = arith.constant 9.99999996E-13 : f32
    %max3A_3 = vector.broadcast %max3A : f32 to vector<1024x1xf32>
    %max3A_4 = arith.maximumf %sqrt3A, %max3A_3 : vector<1024x1xf32>
    %div3A = vector.broadcast %max3A_4 : vector<1024x1xf32> to vector<1024x64xf32>
    %div3A_5 = arith.divf %get3A_1, %div3A : vector<1024x64xf32>
    %reduce_sum3A_6 = arith.constant dense<0.000000e+00> : vector<1024xf32>
    %reduce_sum3A_7 = vector.multi_reduction <add>, %div3A_5, %reduce_sum3A_6 [1] : vector<1024x64xf32> to vector<1024xf32>
    %broadcast_in_dim3A_8 = vector.shape_cast %reduce_sum3A_7 : vector<1024xf32> to vector<1024x1xf32>
    %div3A_9 = arith.constant 6.400000e+01 : f32
    %div3A_10 = vector.broadcast %div3A_9 : f32 to vector<1024x1xf32>
    %div3A_11 = arith.divf %broadcast_in_dim3A_8, %div3A_10 : vector<1024x1xf32>
    %sub3A = vector.broadcast %div3A_11 : vector<1024x1xf32> to vector<1024x64xf32>
    %sub3A_12 = arith.subf %div3A_5, %sub3A : vector<1024x64xf32>
    %integer_pow3A = arith.mulf %sub3A_12, %sub3A_12 : vector<1024x64xf32>
    %reduce_sum3A_13 = arith.constant dense<0.000000e+00> : vector<1024xf32>
    %reduce_sum3A_14 = vector.multi_reduction <add>, %integer_pow3A, %reduce_sum3A_13 [1] : vector<1024x64xf32> to vector<1024xf32>
    %broadcast_in_dim3A_15 = vector.shape_cast %reduce_sum3A_14 : vector<1024xf32> to vector<1024x1xf32>
    %div3A_16 = arith.constant 6.400000e+01 : f32
    %div3A_17 = vector.broadcast %div3A_16 : f32 to vector<1024x1xf32>
    %div3A_18 = arith.divf %broadcast_in_dim3A_15, %div3A_17 : vector<1024x1xf32>
    %sub3A_19 = vector.broadcast %div3A_11 : vector<1024x1xf32> to vector<1024x64xf32>
    %sub3A_20 = arith.subf %div3A_5, %sub3A_19 : vector<1024x64xf32>
    %add3A = arith.constant 9.99999974E-6 : f32
    %add3A_21 = vector.broadcast %add3A : f32 to vector<1024x1xf32>
    %add3A_22 = arith.addf %div3A_18, %add3A_21 : vector<1024x1xf32>
    %sqrt3A_23 = math.sqrt %add3A_22 : vector<1024x1xf32>
    %div3A_24 = vector.broadcast %sqrt3A_23 : vector<1024x1xf32> to vector<1024x64xf32>
    %div3A_25 = arith.divf %sub3A_20, %div3A_24 : vector<1024x64xf32>
    %get3A_26 = arith.constant 0 : index
    %get3A_27 = arith.constant 0 : index
    %get3A_28 = vector.load %arg2[%get3A_26, %get3A_27] : memref<1x64xf32, #tpu.memory_space<vmem>>, vector<1x64xf32>
    %mul3A_29 = vector.broadcast %get3A_28 : vector<1x64xf32> to vector<1024x64xf32>
    %mul3A_30 = arith.mulf %div3A_25, %mul3A_29 : vector<1024x64xf32>
    %get3A_31 = arith.constant 0 : index
    %get3A_32 = arith.constant 0 : index
    %get3A_33 = vector.load %arg3[%get3A_31, %get3A_32] : memref<1x64xf32, #tpu.memory_space<vmem>>, vector<1x64xf32>
    %add3A_34 = vector.broadcast %get3A_33 : vector<1x64xf32> to vector<1024x64xf32>
    %add3A_35 = arith.addf %mul3A_30, %add3A_34 : vector<1024x64xf32>
    %get3A_36 = arith.constant 0 : index
    %get3A_37 = arith.constant 0 : index
    %get3A_38 = vector.load %arg4[%get3A_36, %get3A_37] : memref<64x768xf32, #tpu.memory_space<vmem>>, vector<64x768xf32>
    %dot_general3A = arith.constant dense<0.000000e+00> : vector<1024x768xf32>
    %dot_general3A_39 = tpu.matmul %add3A_35, %get3A_38, %dot_general3A {dimension_numbers = #tpu.dot_dimension_numbers<[1], [0], [0], [1], [0, 0, 1, 1], [], []>, transpose_lhs_hint = false} : vector<1024x64xf32>, vector<64x768xf32>, vector<1024x768xf32> -> vector<1024x768xf32>
    %get3A_40 = arith.constant 0 : index
    %get3A_41 = arith.constant 0 : index
    %get3A_42 = vector.load %arg5[%get3A_40, %get3A_41] : memref<1x768xf32, #tpu.memory_space<vmem>>, vector<1x768xf32>
    %add3A_43 = vector.broadcast %get3A_42 : vector<1x768xf32> to vector<1024x768xf32>
    %add3A_44 = arith.addf %dot_general3A_39, %add3A_43 : vector<1024x768xf32>
    %swap3A = arith.constant 0 : index
    %swap3A_45 = arith.constant 0 : index
    %swap3A_46 = vector.load %arg6[%swap3A, %swap3A_45] : memref<1024x768xf32, #tpu.memory_space<vmem>>, vector<1024x768xf32>
    tpu.vector_store %arg6[%swap3A, %swap3A_45], %add3A_44 {strides = array<i32>} : memref<1024x768xf32, #tpu.memory_space<vmem>>, vector<1024x768xf32>,
    return
  }
  func.func @transform_0(%arg0: i32) -> (i32, i32) {
    %c0_i32 = arith.constant 0 : i32
    %c0_i32_0 = arith.constant 0 : i32
    return %arg0, %c0_i32 : i32, i32
  }
  func.func @transform_1(%arg0: i32) -> (i32, i32) {
    %c0_i32 = arith.constant 0 : i32
    %c0_i32_0 = arith.constant 0 : i32
    %c0_i32_1 = arith.constant 0 : i32
    return %c0_i32, %c0_i32_0 : i32, i32
  }
  func.func @transform_2(%arg0: i32) -> (i32, i32) {
    %c0_i32 = arith.constant 0 : i32
    %c0_i32_0 = arith.constant 0 : i32
    %c0_i32_1 = arith.constant 0 : i32
    return %c0_i32, %c0_i32_0 : i32, i32
  }
  func.func @transform_3(%arg0: i32) -> (i32, i32) {
    %c0_i32 = arith.constant 0 : i32
    %c0_i32_0 = arith.constant 0 : i32
    %c0_i32_1 = arith.constant 0 : i32
    return %c0_i32, %c0_i32_0 : i32, i32
  }
  func.func @transform_4(%arg0: i32) -> (i32, i32) {
    %c0_i32 = arith.constant 0 : i32
    %c0_i32_0 = arith.constant 0 : i32
    %c0_i32_1 = arith.constant 0 : i32
    return %c0_i32, %c0_i32_0 : i32, i32
  }
  func.func @transform_5(%arg0: i32) -> (i32, i32) {
    %c0_i32 = arith.constant 0 : i32
    %c0_i32_0 = arith.constant 0 : i32
    return %arg0, %c0_i32 : i32, i32
  }
}

</mosaic_0001>

<sc_bundles>
// kernel: kernel.5.cloned.1.call-start
scs
__scs_entry_jumppad:
0x0: {  	(pc) =	sbr.rel $0x88, $3  }
0x1: {  	(tag) =	ssettag $0x0;
	lr =	simm.s32 $0x1  }
0x2: {  	[smem:$0x3F97] =	sst lr;
	_ =	strace $0xD0000000  }
0x3: {  	_ = 	snop  }
0x4: {  	_ = 	snop  }
0x5: {  	_ = 	snop  }
0x6: {  	_ = 	snop  }
0x7: {  	_ = 	snop  }
__scs_overlays_trampoline_lowered:
0x8: {  	[smem:$0x3FA6] =	sst s0  }
0x9: {  	[smem:$0x3FA7] =	sst s1  }
0xa: {  	[smem:$0x3FA8] =	sst s2  }
0xb: {  	[smem:$0x3FA9] =	sst s3  }
0xc: {  	[smem:$0x3FAA] =	sst s4  }
0xd: {  	[smem:$0x3FAB] =	sst s5  }
0xe: {  	[smem:$0x3FAC] =	sst s6  }
0xf: {  	[smem:$0x3FAD] =	sst s7  }
0x10: {  	[smem:$0x3FAE] =	sst s8  }
0x11: {  	[smem:$0x3FAF] =	sst s9;
	s0 =	simm.s32 @!p0 $0x0  }
0x12: {  	s1 =	sld [smem:$0x3F95];
	s0 =	simm.s32 @p0 $0x1  }
0x13: {  	[smem:$0x3FB0] =	sst s0;
	s0 =	simm.s32 @!p1 $0x0  }
0x14: {  	s2 =	sld [smem:$0x3F94];
	s0 =	simm.s32 @p1 $0x1  }
0x15: {  	[smem:$0x3FB1] =	sst s0;
	s0 =	simm.s32 @!p2 $0x0  }
0x16: {  	s3 =	sld [smem:$0x3FDB];
	s0 =	simm.s32 @p2 $0x1  }
0x17: {  	s4 =	simm.s32 $0x1BF5;
	[smem:$0x3FB3] =	sst s0  }
0x18: {  	s0 =	sld [smem:$0x3F96];
	_ =	swait.ge [sflag:s4], $0x0  }
0x19: {  	s7 =	sld [smem:$0x3F97]  }
0x1a: {  	s8 =	sadd.s32 $0xFFFFE003, lr  }
0x1b: {  	s9 =	sadd.s32 $0xFFFFFEF7, lr;
	s5 =	simm.s32 $0xFFFFFFFF;
	p2 =	slt.u32 s8, $0xFFFFF086  }
0x1c: {  	p1 =	slt.u32 s9, $0xF7A;
	s5 =	simm.s32 @!p2 $0x0  }
0x1d: {  	s5 =	simm.s32 @p1 $0x1;
	p0 =	seq.s32 s7, s2  }
0x1e: {  	s7 =	smul.u32 @!p0 $0xF7A, s2;
	p2 =	seq.s32 @!p0 s5, $0x0  }
0x1f: {  	s9 =	smul.u32 $0xF7A, s1;
	s8 =	simm.s32 @!p0 $0x1BF5;
	p2 =	por !p2, p0  }
0x20: {  	[sflag:s8] =	ssyncset.s32 @!p0 $0xFFFFF086;
	s6 =	sadd.s32 @!p0 s3, s7;
	s7 =	simm.s32 @!p0 $0x108  }
0x21: {  	s3 =	sadd.s32 s3, s9;
	s6 =	sadd.s32 @!p0 $0x88, s6;
	s7 =	simm.s32 @p2 $0x1082  }
0x22: {  	[simem:s7], [sflag:s8] =	dma.local @!p0 [hbm:s6], $0xF7A  }
0x23: {  	s9 =	sor.u32 $0xD0000000, s2;
	s6 =	simm.s32 $0x108;
	_ =	swait.ge @!p0 [sflag:s8], $0x0  }
0x24: {  	s3 =	sadd.s32 $0x88, s3;
	s6 =	simm.s32 @!p1 $0x1082;
	[sflag:s4] =	ssyncset.s32 $0xFFFFF086  }
0x25: {  	[simem:s6], [sflag:s4] =	dma.local [hbm:s3], $0xF7A  }
0x26: {  	[smem:$0x3F97] =	sst s1;
	(tag) =	ssettag s2;
	_ =	strace s9  }
0x27: {  	s1 =	sld [smem:$0x3FA7]  }
0x28: {  	s2 =	sld [smem:$0x3FA8]  }
0x29: {  	s4 =	sld [smem:$0x3FAA]  }
0x2a: {  	p0 =	seq.s32 s5, $0x0;
	s5 =	sld [smem:$0x3FAB]  }
0x2b: {  	s6 =	sld [smem:$0x3FAC]  }
0x2c: {  	s7 =	sld [smem:$0x3FAD]  }
0x2d: {  	s3 =	simm.s32 $0x108;
	s8 =	sld [smem:$0x3FAE]  }
0x2e: {  	s3 =	simm.s32 @!p0 $0x1082;
	s9 =	sld [smem:$0x3FAF]  }
0x2f: {  	lr =	sadd.s32 s0, s3;
	s0 =	sld [smem:$0x3FA6]  }
0x30: {  	s3 =	sld [smem:$0x3FA9]  }
0x31: {  	[smem:$0x3FB2] =	sst s10  }
0x32: {  	s10 =	sld [smem:$0x3FB0];
	_ =	sdelay $0x3  }
0x33: {  	p0 =	seq.s32 s10, $0x1;
	s10 =	sld [smem:$0x3FB2];
	_ =	sdelay $0x3  }
0x34: {  	[smem:$0x3FB2] =	sst s10  }
0x35: {  	s10 =	sld [smem:$0x3FB1];
	_ =	sdelay $0x3  }
0x36: {  	p1 =	seq.s32 s10, $0x1;
	s10 =	sld [smem:$0x3FB2];
	_ =	sdelay $0x3  }
0x37: {  	[smem:$0x3FB2] =	sst s10  }
0x38: {  	s10 =	sld [smem:$0x3FB3]  }
0x39: {  	_ = 	snop;
	(pc) =	sbr.ind lr, $3  }
0x3a: {  	_ = 	snop  }
0x3b: {  	_ = 	snop  }
0x3c: {  	p2 =	seq.s32 s10, $0x1;
	s10 =	sld [smem:$0x3FB2]  }
0x3d: {  	_ =	shalt  }
0x3e: {  	_ =	shalt  }
0x3f: {  	_ =	shalt  }
0x40: {  	_ =	shalt  }
0x41: {  	_ =	shalt  }
0x42: {  	_ =	shalt  }
0x43: {  	_ =	shalt  }
0x44: {  	_ =	shalt  }
0x45: {  	_ =	shalt  }
0x46: {  	_ =	shalt  }
0x47: {  	_ =	shalt  }
0x48: {  	_ =	shalt  }
0x49: {  	_ =	shalt  }
0x4a: {  	_ =	shalt  }
0x4b: {  	_ =	shalt  }
0x4c: {  	_ =	shalt  }
0x4d: {  	_ =	shalt  }
0x4e: {  	_ =	shalt  }
0x4f: {  	_ =	shalt  }
0x50: {  	_ =	shalt  }
0x51: {  	_ =	shalt  }
0x52: {  	_ =	shalt  }
0x53: {  	_ =	shalt  }
0x54: {  	_ =	shalt  }
0x55: {  	_ =	shalt  }
0x56: {  	_ =	shalt  }
0x57: {  	_ =	shalt  }
0x58: {  	_ =	shalt  }
0x59: {  	_ =	shalt  }
0x5a: {  	_ =	shalt  }
0x5b: {  	_ =	shalt  }
0x5c: {  	_ =	shalt  }
0x5d: {  	_ =	shalt  }
0x5e: {  	_ =	shalt  }
0x5f: {  	_ =	shalt  }
0x60: {  	_ =	shalt  }
0x61: {  	_ =	shalt  }
0x62: {  	_ =	shalt  }
0x63: {  	_ =	shalt  }
0x64: {  	_ =	shalt  }
0x65: {  	_ =	shalt  }
0x66: {  	_ =	shalt  }
0x67: {  	_ =	shalt  }
0x68: {  	_ =	shalt  }
0x69: {  	_ =	shalt  }
0x6a: {  	_ =	shalt  }
0x6b: {  	_ =	shalt  }
0x6c: {  	_ =	shalt  }
0x6d: {  	_ =	shalt  }
0x6e: {  	_ =	shalt  }
0x6f: {  	_ =	shalt  }
0x70: {  	_ =	shalt  }
0x71: {  	_ =	shalt  }
0x72: {  	_ =	shalt  }
0x73: {  	_ =	shalt  }
0x74: {  	_ =	shalt  }
0x75: {  	_ =	shalt  }
0x76: {  	_ =	shalt  }
0x77: {  	_ =	shalt  }
0x78: {  	_ =	shalt  }
0x79: {  	_ =	shalt  }
0x7a: {  	_ =	shalt  }
0x7b: {  	_ =	shalt  }
0x7c: {  	_ =	shalt  }
0x7d: {  	_ =	shalt  }
0x7e: {  	_ =	shalt  }
0x7f: {  	_ =	shalt  }
0x80: {  	_ =	shalt  }
0x81: {  	_ =	shalt  }
0x82: {  	_ =	shalt  }
0x83: {  	_ =	shalt  }
0x84: {  	_ =	shalt  }
0x85: {  	_ =	shalt  }
0x86: {  	_ =	shalt  }
0x87: {  	_ =	shalt  }
.Lfunc_end0:
.L_simem_size_0:
called_computation_lowered:
.L_overlay_start_0:
0x88: {  	s2 =	sld [smem:$0x3FD9]  }
0x89: {  	s3 =	sld [smem:$0x3FFE];
	_ =	sdelay $0x1  }
0x8a: {  	s1 =	srdreg.scid  }
0x8b: {  	s0 =	sand.u32 $0x1, s1  }
0x8c: {  	s17 =	sshll.u32 s0, $0xA;
	s2 =	sadd.s32 s3, s2  }
0x8d: {  	s2 =	sadd.s32 s2, s17  }
0x8e: {  	[smem:$0x3FBE] =	sst s2  }
0x8f: {  	_ = 	snop  }
0x90: {  	s2 =	sld [smem:$0x3FD0];
	(tm) =	ssettm $0x1  }
0x91: {  	s18 =	sld [smem:$0x3FFB];
	_ =	sdelay $0x3  }
0x92: {  	_ =	strace s18  }
0x93: {  	s3 =	sld [smem:$0x3FFC];
	_ =	sdelay $0x3  }
0x94: {  	_ =	strace s3  }
0x95: {  	s3 =	sld [smem:$0x3FFD];
	_ =	sdelay $0x3  }
0x96: {  	_ =	strace s3  }
0x97: {  	_ =	strace $0x8FFFFFFF  }
0x98: {  	s19 =	sld [smem:$0x3FDB];
	_ =	sdelay $0x1  }
0x99: {  	s4 =	simm.s32 $_scs_section_size  }
0x9a: {  	s5 =	simm.s32 $_size__tile_overlayer_lowered;
	s6 =	simm.s32 $_tile_overlayer_lowered  }
0x9b: {  	s22 =	simm.s32 $0x1BFF;
	s21 =	sshll.u32 s6, $0x1;
	s3 =	sadd.s32 s4, s19  }
0x9c: {  	s7 =	simm.s32 $0x0;
	s20 =	sshll.u32 s5, $0x1;
	s5 =	sadd.s32 s21, s3  }
0x9d: {  	[timem:s7], [sflag:s22] =	dma.local [hbm:s5], s20  }
0x9e: {  	_ =	swait.ge [sflag:s22], s20  }
0x9f: {  	s4 =	ssub.s32 $0x0, s20;
	[sflag:s22] =	ssyncset.done $0x0  }
0xa0: {  	[sflag:s22] =	ssyncadd.s32 s4;
	_ =	sdelay $0x1  }
0xa1: {  	s23 =	simm.s32 $0x1B8B  }
0xa2: {  	_ =	swait.ge [sflag:s23], $0x1  }
0xa3: {  	[sflag:s23] =	ssyncset.done $0x0  }
0xa4: {  	s25 =	simm.s32 $0x1B8E;
	s24 =	sld [smem:$0x3FFE];
	[sflag:s23] =	ssyncadd.s32 $0xFFFFFFFF  }
0xa5: {  	s26 =	simm.s32 $execute0_lowered;
	[smem:$0x3FD2] =	sst s25  }
0xa6: {  	s5 =	sshll.u32 s26, $0x1;
	_ =	strace $0x80000046;
	[dreg:$0x1] =	wrdreg $0xFFFFFFFF  }
0xa7: {  	s28 =	simm.s32 $_size_execute0_lowered;
	s3 =	sadd.s32 s3, s5;
	[dreg:$0x0] =	wrdreg $0x0  }
0xa8: {  	s5 =	sshll.u32 s28, $0x1;
	[dreg:$0x2] =	wrdreg s3  }
0xa9: {  	[dreg:$0x3] =	wrdreg s5  }
0xaa: {  	[dreg:$0x4] =	wrdreg $0xC0  }
0xab: {  	_ =	task [dreg:s7], $0x5FFFF  }
0xac: {  	[dreg:$0x1] =	wrdreg $0xFFFFFFFF  }
0xad: {  	[dreg:$0x0] =	wrdreg $0x60  }
0xae: {  	[dreg:$0x2] =	wrdreg s24  }
0xaf: {  	[dreg:$0x3] =	wrdreg s2  }
0xb0: {  	[dreg:$0x4] =	wrdreg $0x9  }
0xb1: {  	_ =	task.clear_ibuf [dreg:s7], $0x5FFFF;
	_ =	strace $0x90000046  }
0xb2: {  	s29 =	simm.s32 $0x9;
	_ =	strace $0x80000048  }
0xb3: {  	_ =	swait.ge [sflag:s29], $0x1  }
0xb4: {  	[sflag:s29] =	ssyncadd.s32 $0xFFFFFFFF  }
0xb5: {  	_ =	strace $0x90000048  }
0xb6: {  	_ =	sfence  }
0xb7: {  	s30 =	sld [smem:$0x0];
	_ =	sdelay $0x2  }
0xb8: {  	s31 =	sshll.u32 s1, $0xD;
	s1 =	sshrl.u32 s1, $0x2  }
0xb9: {  	s3 =	sand.u32 $0x4000, s31;
	s1 =	sadd.s32 s1, s30  }
0xba: {  	s0 =	sor.u32 s3, s0;
	s1 =	sshll.u32 s1, $0x11  }
0xbb: {  	s0 =	sor.u32 s1, s0  }
0xbc: {  	s0 =	sadd.s32 $0x8F2B, s0  }
0xbd: {  	[sflag:s0] =	ssyncadd.remote.s32 $0x1  }
0xbe: {  	_ =	sfence.sel $0xFFFF  }
0xbf: {  	[dreg:$0x0] =	wrdreg $0xFFFFFFFF;
	(pc) =	sbr.abs _section_cstart, $3  }
0xc0: {  	[dreg:$0x1] =	wrdreg $0xFFFFFFFF  }
0xc1: {  	_ =	task.clear_ibuf [dreg:s7], $0x2FFFF;
	_ =	strace $0x9FFFFFFF  }
0xc2: {  	(tm) =	ssettm $0x7FFFFFFF  }
0xc3: {  	_ =	shalt  }
tec
execute0_lowered:
.L_overlay_start_1:
0x0: {  	(tag) =	ssettag $0x1  }
0x1: {  	s1 =	srdreg.scid;
	s0 =	stileid.u32  }
0x2: {  	s13 =	sand.u32 $0x1, s1;
	s28 =	sshll.u32 s0, $0x1  }
0x3: {  	s5 =	rddreg [dreg:$0x0];
	s9 =	sor.u32 s13, s28  }
0x4: {  	s14 =	rddreg [dreg:$0x1];
	s12 =	smul.u32 $0x120, s9  }
0x5: {  	s2 =	simm.s32 $0x0;
	s1 =	rddreg [dreg:$0x2]  }
0x6: {  	[smem:$0x7FF] =	sst s2;
	s15 =	sadd.s32 $0x21400, s5;
	s3 =	sshrl.u32 s12, $0x3  }
0x7: {  	_ =	strace $0x80000047;
	s4 =	sadd.s32 s15, s3;
	s3 =	simm.s32 $0x2  }
0x8: {  	[tilespmem:s2], [sflag:$0x2] =	stream.linear.gather [hbm4b:s4+s2], $0x60, $0x38;
	[tilespmem:$0x3080] =	vst v63  }
0x9: {  	_ =	swait.ge [sflag:s3], $0x60  }
0xa: {  	s6 =	simm.s32 $0x60;
	s7 =	simm.s32 $0x80;
	[sflag:s3] =	ssyncset.done $0x0  }
0xb: {  	s8 =	simm.s32 $0x1;
	s5 =	sadd.s32 $0x1400, s5;
	[sflag:s3] =	ssyncadd.s32 $0xFFFFFFA0  }
0xc: {  	[tilespmem:s7], [sflag:$0x1] =	stream.indirect.gather [hbm4b:s5+s6], $0x80, s2, s6, $0xb8;
	[tilespmem:$0x3080] =	vst v63  }
0xd: {  	s9 =	smul.u32 $0x1200, s9;
	_ =	swait.ge [sflag:s8], $0x3000  }
0xe: {  	[sflag:s8] =	ssyncset.done $0x0  }
0xf: {  	s9 =	sadd.s32 s14, s9;
	[sflag:s8] =	ssyncadd.s32 $0xFFFFD000  }
0x10: {  	[hbm4b:s9+s2] =	stream.linear.scatter [tilespmem:s7], [sflag:$0x2], $0x3000, $0x38;
	[tilespmem:$0x3080] =	vst v63  }
0x11: {  	s11 =	sadd.s32 $0x60, s12;
	_ =	swait.ge [sflag:s3], $0x3000  }
0x12: {  	s10 =	sshrl.u32 s11, $0x3;
	[sflag:s3] =	ssyncset.done $0x0  }
0x13: {  	s10 =	sadd.s32 s15, s10;
	[sflag:s3] =	ssyncadd.s32 $0xFFFFD000  }
0x14: {  	[tilespmem:s2], [sflag:$0x2] =	stream.linear.gather [hbm4b:s10+s2], $0x60, $0x38;
	[tilespmem:$0x3080] =	vst v63  }
0x15: {  	_ =	swait.ge [sflag:s3], $0x60  }
0x16: {  	[sflag:s3] =	ssyncset.done $0x0  }
0x17: {  	[sflag:s3] =	ssyncadd.s32 $0xFFFFFFA0  }
0x18: {  	[tilespmem:s7], [sflag:$0x1] =	stream.indirect.gather [hbm4b:s5+s6], $0x80, s2, s6, $0xb8;
	[tilespmem:$0x3080] =	vst v63  }
0x19: {  	_ =	swait.ge [sflag:s8], $0x3000  }
0x1a: {  	s11 =	sshll.u32 s11, $0x4;
	[sflag:s8] =	ssyncset.done $0x0  }
0x1b: {  	s11 =	sadd.s32 s14, s11;
	[sflag:s8] =	ssyncadd.s32 $0xFFFFD000  }
0x1c: {  	[hbm4b:s11+s2] =	stream.linear.scatter [tilespmem:s7], [sflag:$0x2], $0x3000, $0x38;
	[tilespmem:$0x3080] =	vst v63  }
0x1d: {  	s16 =	sadd.s32 $0xC0, s12;
	_ =	swait.ge [sflag:s3], $0x3000  }
0x1e: {  	s12 =	sshrl.u32 s16, $0x3;
	[sflag:s3] =	ssyncset.done $0x0  }
0x1f: {  	s13 =	ssub.s32 $0x2, s13;
	s12 =	sadd.s32 s15, s12;
	[sflag:s3] =	ssyncadd.s32 $0xFFFFD000  }
0x20: {  	[tilespmem:s2], [sflag:$0x2] =	stream.linear.gather [hbm4b:s12+s2], $0x60, $0x38;
	[tilespmem:$0x3080] =	vst v63  }
0x21: {  	s29 =	sshrl.u32 s13, $0x1;
	_ =	swait.ge [sflag:s3], $0x60  }
0x22: {  	s15 =	ssub.s32 s13, s29;
	[sflag:s3] =	ssyncset.done $0x0  }
0x23: {  	s31 =	smax.u32 s15, $0x1;
	[sflag:s3] =	ssyncadd.s32 $0xFFFFFFA0  }
0x24: {  	[tilespmem:s7], [sflag:$0x1] =	stream.indirect.gather [hbm4b:s5+s6], $0x80, s2, s6, $0xb8;
	[tilespmem:$0x3080] =	vst v63  }
0x25: {  	p0 =	sne.s32 s31, $0x1;
	_ =	swait.ge [sflag:s8], $0x3000  }
.Ltmp0:
0x26: {  	s30 =	sshll.u32 s16, $0x4;
	[sflag:s8] =	ssyncset.done $0x0;
	(pc) =	sbr.rel @!p0 .LBB2_2-.Ltmp0, $4  }
0x27: {  	s13 =	sadd.s32 s14, s30;
	[sflag:s8] =	ssyncadd.s32 $0xFFFFD000  }
0x28: {  	[hbm4b:s13+s2] =	stream.linear.scatter [tilespmem:s7], [sflag:$0x2], $0x3000, $0x38;
	[tilespmem:$0x3080] =	vst v63  }
0x29: {  	_ =	swait.ge [sflag:s3], $0x3000  }
0x2a: {  	s14 =	sadd.s32 $0xFFFFFFFF, s31;
	[sflag:s3] =	ssyncset.done $0x0  }
.LBB2_1:
0x2b: {  	p0 =	sne.s32 s14, $0x1;
	s14 =	sadd.s32 $0xFFFFFFFF, s14;
	[sflag:s3] =	ssyncadd.s32 $0xFFFFD000  }
0x2c: {  	[tilespmem:s2], [sflag:$0x2] =	stream.linear.gather [hbm4b:s4+s2], $0x60, $0x38;
	[tilespmem:$0x3080] =	vst v63  }
0x2d: {  	_ =	swait.ge [sflag:s3], $0x60  }
0x2e: {  	[sflag:s3] =	ssyncset.done $0x0  }
0x2f: {  	[sflag:s3] =	ssyncadd.s32 $0xFFFFFFA0  }
0x30: {  	[tilespmem:s7], [sflag:$0x1] =	stream.indirect.gather [hbm4b:s5+s6], $0x80, s2, s6, $0xb8;
	[tilespmem:$0x3080] =	vst v63  }
0x31: {  	_ =	swait.ge [sflag:s8], $0x3000  }
0x32: {  	[sflag:s8] =	ssyncset.done $0x0  }
0x33: {  	[sflag:s8] =	ssyncadd.s32 $0xFFFFD000  }
0x34: {  	[hbm4b:s9+s2] =	stream.linear.scatter [tilespmem:s7], [sflag:$0x2], $0x3000, $0x38;
	[tilespmem:$0x3080] =	vst v63  }
0x35: {  	_ =	swait.ge [sflag:s3], $0x3000  }
0x36: {  	[sflag:s3] =	ssyncset.done $0x0  }
0x37: {  	[sflag:s3] =	ssyncadd.s32 $0xFFFFD000  }
0x38: {  	[tilespmem:s2], [sflag:$0x2] =	stream.linear.gather [hbm4b:s10+s2], $0x60, $0x38;
	[tilespmem:$0x3080] =	vst v63  }
0x39: {  	_ =	swait.ge [sflag:s3], $0x60  }
0x3a: {  	[sflag:s3] =	ssyncset.done $0x0  }
0x3b: {  	[sflag:s3] =	ssyncadd.s32 $0xFFFFFFA0  }
0x3c: {  	[tilespmem:s7], [sflag:$0x1] =	stream.indirect.gather [hbm4b:s5+s6], $0x80, s2, s6, $0xb8;
	[tilespmem:$0x3080] =	vst v63  }
0x3d: {  	_ =	swait.ge [sflag:s8], $0x3000  }
0x3e: {  	[sflag:s8] =	ssyncset.done $0x0  }
0x3f: {  	[sflag:s8] =	ssyncadd.s32 $0xFFFFD000  }
0x40: {  	[hbm4b:s11+s2] =	stream.linear.scatter [tilespmem:s7], [sflag:$0x2], $0x3000, $0x38;
	[tilespmem:$0x3080] =	vst v63  }
0x41: {  	_ =	swait.ge [sflag:s3], $0x3000  }
0x42: {  	[sflag:s3] =	ssyncset.done $0x0  }
0x43: {  	[sflag:s3] =	ssyncadd.s32 $0xFFFFD000  }
0x44: {  	[tilespmem:s2], [sflag:$0x2] =	stream.linear.gather [hbm4b:s12+s2], $0x60, $0x38;
	[tilespmem:$0x3080] =	vst v63  }
0x45: {  	_ =	swait.ge [sflag:s3], $0x60  }
0x46: {  	[sflag:s3] =	ssyncset.done $0x0  }
0x47: {  	[sflag:s3] =	ssyncadd.s32 $0xFFFFFFA0  }
0x48: {  	[tilespmem:s7], [sflag:$0x1] =	stream.indirect.gather [hbm4b:s5+s6], $0x80, s2, s6, $0xb8;
	[tilespmem:$0x3080] =	vst v63  }
0x49: {  	_ =	swait.ge [sflag:s8], $0x3000  }
.Ltmp1:
0x4a: {  	[sflag:s8] =	ssyncset.done $0x0;
	(pc) =	sbr.rel @p0 .LBB2_1-.Ltmp1, $4  }
0x4b: {  	[sflag:s8] =	ssyncadd.s32 $0xFFFFD000  }
0x4c: {  	[hbm4b:s13+s2] =	stream.linear.scatter [tilespmem:s7], [sflag:$0x2], $0x3000, $0x38;
	[tilespmem:$0x3080] =	vst v63  }
0x4d: {  	_ =	swait.ge [sflag:s3], $0x3000  }
0x4e: {  	[sflag:s3] =	ssyncset.done $0x0  }
.LBB2_2:
0x4f: {  	[sflag:s3] =	ssyncadd.s32 $0xFFFFD000  }
0x50: {  	_ =	sfence.sel $0x180000  }
0x51: {  	[bflag:$0x0] =	sbarrier.arrive $0xFFFF  }
0x52: {  	p0 =	sne.s32 s0, $0x0;
	_ =	strace $0x90000047  }
0x53: {  	s0 =	sadd.s32 @!p0 $0x100000, s1;
	[bflag:$0x2] =	sbarrier.arrive $0xFFFF  }
0x54: {  	[sflag:s0] =	ssyncadd.tile.s32 @!p0 $0x1;
	_ =	shalt  }
.Lfunc_end2:
_tile_overlayer_lowered:
.L_overlay_start_2:
0x55: {  	(tag) =	ssettag $0x2  }
0x56: {  	s0 =	rddreg [dreg:$0x0];
	s2 =	stileid.u32  }
0x57: {  	s1 =	rddreg [dreg:$0x1];
	p0 =	sne.s32 s2, $0x0  }
0x58: {  	s3 =	rddreg [dreg:$0x2];
	[bflag:$0x3] =	sbarrier.arrive $0xFFFF;
	s2 =	simm.s32 @!p0 $0x1C02  }
0x59: {  	[timem:s3], [sflag:s2] =	dma.local @!p0 [hbm:s0], s1  }
0x5a: {  	s0 =	simm.s32 @!p0 $0x2  }
0x5b: {  	_ =	swait.ge @!p0 [sflag:s0], s1  }
0x5c: {  	s1 =	ssub.s32 @!p0 $0x0, s1;
	[sflag:s0] =	ssyncset.done @!p0 $0x0  }
0x5d: {  	[sflag:s0] =	ssyncadd.s32 @!p0 s1  }
0x5e: {  	[bflag:$0x3] =	sbarrier.arrive $0xFFFF  }
0x5f: {  	_ =	shalt  }

</sc_bundles>
